<compile_context>
chip_gen: v7x
topology: tpu7x:2x2x1
jax: 0.10.2.dev20260603
libtpu: 0.0.44.dev20260713+nightly
codegen_flags: <defaults>
</compile_context>

<pallas_src>
import functools
import jax
import jax.numpy as jnp
from jax import lax
from jax.experimental import pallas as pl
from jax.experimental.pallas import tpu as pltpu
from jax.experimental.pallas import tpu_sc as plsc

CH = 128


def _tc_body(x0, x1, x2, x3, o_ref):
    o_ref[0, 0, :] = x0[0, 0, :] + x1[0, 0, :] + x2[0, 0, :] + x3[0, 0, :]


def _sc_body(x_hbm, out_hbm, buf, sem):
    c = lax.axis_index("c")
    s = lax.axis_index("s")
    wid = s * 2 + c
    b = wid // 2
    h = wid % 2
    base = b * 4096 + 3072 + h * 512
    nch = 512 // CH

    def body(i, _):
        pltpu.async_copy(x_hbm.at[pl.ds(base + i * CH, CH)], buf, sem).wait()
        return 0

    lax.fori_loop(0, nch, body, 0)
    pltpu.sync_copy(buf.at[0, pl.ds(0, 16)], out_hbm.at[wid])


def kernel(inputs):
    B, S, D = inputs.shape
    Q = 3072 // 4
    def spec(q):
        return pl.BlockSpec((1, Q, D), lambda b, q=q: (b, q, 0))
    tc_out = pl.pallas_call(
        _tc_body,
        grid=(B,),
        in_specs=[spec(q) for q in range(4)],
        out_specs=pl.BlockSpec((1, 1, D), lambda b: (b, 0, 0)),
        out_shape=jax.ShapeDtypeStruct((B, 1, D), inputs.dtype),
    )(*([inputs] * 4))

    flat = inputs.reshape(B * S, D)
    mesh = plsc.VectorSubcoreMesh(core_axis_name="c", subcore_axis_name="s")
    sc_out = functools.partial(
        pl.kernel,
        out_type=jax.ShapeDtypeStruct((32, 16), jnp.float32),
        mesh=mesh,
        scratch_types=[
            pltpu.VMEM((CH, D), jnp.float32),
            pltpu.SemaphoreType.DMA,
        ],
    )(_sc_body)(flat)

    return tc_out.reshape(B, D) + jnp.sum(sc_out)

# --- scband reference (transcript-rebuilt; emitter-appended) ---
"""Pipeline reference for scband-reduce-last-1580547972329 (READ-ONLY COPY).

The authoritative reference and input builder live on the scoring server;
editing this copy changes nothing except your own understanding.
"""

import jax, jax.numpy as jnp
import numpy as np


def setup_inputs(seed: int = 0) -> dict:
    key = jax.random.key(seed)
    inputs = jax.random.normal(key, (16, 4096, 768), dtype=jnp.float32)
    return {"inputs": inputs}


def reference(inputs):
    # sequence_length_3D: nonzero-timestep count per batch row
    used = jnp.sign(jnp.max(jnp.abs(inputs), axis=2))
    length = jnp.sum(used, axis=1).astype(jnp.int32)
    sequence_length = length - 1
    sequence_length = jnp.where(sequence_length < 0, 0, sequence_length)
    batch_size = inputs.shape[0]
    gathered = inputs[jnp.arange(batch_size), sequence_length.astype(jnp.int64)]
    return gathered

if __name__ == "__main__":
    import jax
    _d = setup_inputs()
    print(jax.jit(kernel)(*tuple(_d.values())))

</pallas_src>

<mosaic_0001>
#map = affine_map<(d0, d1) -> (0, 0)>
module attributes {stable_mosaic.version = 14 : i64} {
  func.func @_sc_body(%arg0: i32, %arg1: i32, %arg2: memref<65536x768xf32, #tpu.memory_space<hbm>>, %arg3: memref<32x16xf32, #tpu.memory_space<hbm>>, %arg4: memref<128x768xf32, #tpu.memory_space<vmem>>, %arg5: memref<!tpu.dma_semaphore, #tpu.memory_space<semaphore_mem>>) attributes {dimension_semantics = [#tpu.dimension_semantics<core_parallel>, #tpu.dimension_semantics<subcore_parallel>], iteration_bounds = array<i64: 2, 16>, scalar_prefetch = 0 : i64, scratch_operands = 2 : i64, tpu.core_type = #tpu.core_type<sc_vector_subcore>, window_params = [{transform_indices = #map}, {transform_indices = #map}]} {
    %mul3A = arith.constant 2 : i32
    %mul3A_0 = arith.muli %arg1, %mul3A : i32
    %add3A = arith.addi %mul3A_0, %arg0 : i32
    %jit3A = arith.constant 2 : i32
    %div3A = arith.divsi %add3A, %jit3A : i32
    %sign3A = arith.constant 0 : i32
    %sign3A_1 = arith.cmpi sgt, %add3A, %sign3A : i32
    %sign3A_2 = arith.extui %sign3A_1 : i1 to i32
    %sign3A_3 = arith.constant 0 : i32
    %sign3A_4 = arith.cmpi slt, %add3A, %sign3A_3 : i32
    %sign3A_5 = arith.extui %sign3A_4 : i1 to i32
    %sign3A_6 = arith.subi %sign3A_2, %sign3A_5 : i32
    %sign3A_7 = arith.constant 0 : i32
    %sign3A_8 = arith.cmpi sgt, %jit3A, %sign3A_7 : i32
    %sign3A_9 = arith.extui %sign3A_8 : i1 to i32
    %sign3A_10 = arith.constant 0 : i32
    %sign3A_11 = arith.cmpi slt, %jit3A, %sign3A_10 : i32
    %sign3A_12 = arith.extui %sign3A_11 : i1 to i32
    %sign3A_13 = arith.subi %sign3A_9, %sign3A_12 : i32
    %ne3A = arith.cmpi ne, %sign3A_6, %sign3A_13 : i32
    %rem3A = arith.remsi %add3A, %jit3A : i32
    %ne3A_14 = arith.constant 0 : i32
    %ne3A_15 = arith.cmpi ne, %rem3A, %ne3A_14 : i32
    %and3A = arith.andi %ne3A, %ne3A_15 : i1
    %sub3A = arith.constant 1 : i32
    %sub3A_16 = arith.subi %div3A, %sub3A : i32
    %select_n3A = arith.select %and3A, %sub3A_16, %div3A : i32
    %jit3A_17 = arith.constant 2 : i32
    %eq3A = arith.constant 0 : i32
    %eq3A_18 = arith.cmpi eq, %jit3A_17, %eq3A : i32
    %jit3A_19 = arith.constant 1 : i32
    %select_n3A_20 = arith.select %eq3A_18, %jit3A_19, %jit3A_17 : i32
    %rem3A_21 = arith.remsi %add3A, %select_n3A_20 : i32
    %ne3A_22 = arith.constant 0 : i32
    %ne3A_23 = arith.cmpi ne, %rem3A_21, %ne3A_22 : i32
    %lt3A = arith.constant 0 : i32
    %lt3A_24 = arith.cmpi slt, %rem3A_21, %lt3A : i32
    %lt3A_25 = arith.constant 0 : i32
    %lt3A_26 = arith.cmpi slt, %select_n3A_20, %lt3A_25 : i32
    %ne3A_27 = arith.xori %lt3A_24, %lt3A_26 : i1
    %and3A_28 = arith.andi %ne3A_27, %ne3A_23 : i1
    %add3A_29 = arith.addi %rem3A_21, %select_n3A_20 : i32
    %select_n3A_30 = arith.select %and3A_28, %add3A_29, %rem3A_21 : i32
    %mul3A_31 = arith.constant 4096 : i32
    %mul3A_32 = arith.muli %select_n3A, %mul3A_31 : i32
    %add3A_33 = arith.constant 3072 : i32
    %add3A_34 = arith.addi %mul3A_32, %add3A_33 : i32
    %mul3A_35 = arith.constant 512 : i32
    %mul3A_36 = arith.muli %select_n3A_30, %mul3A_35 : i32
    %add3A_37 = arith.addi %add3A_34, %mul3A_36 : i32
    %scan3A = arith.constant 0 : i32
    %scan3A_38 = arith.constant 0 : i32
    %scan3A_39 = arith.constant 4 : i32
    %scan3A_40 = arith.addi %scan3A_38, %scan3A_39 : i32
    %scan3A_41 = arith.constant 1 : i32
    %scan3A_42 = scf.for %scan3A_44 = %scan3A_38 to %scan3A_40 step %scan3A_41 iter_args(%scan3A_45 = %scan3A) -> (i32)  : i32 {
      %mul3A_46 = arith.constant 128 : i32
      %mul3A_47 = arith.muli %scan3A_44, %mul3A_46 : i32
      %add3A_48 = arith.addi %add3A_37, %mul3A_47 : i32
      %dma_start3A = arith.constant 0 : i32
      %dma_start3A_49 = tpu.memref_slice %arg2[%add3A_48, %dma_start3A] : memref<65536x768xf32, #tpu.memory_space<hbm>> -> memref<128x768xf32, #tpu.memory_space<hbm>>
      %dma_start3A_50 = arith.constant 0 : i32
      %dma_start3A_51 = tpu.memref_slice %arg2[%add3A_48, %dma_start3A_50] : memref<65536x768xf32, #tpu.memory_space<hbm>> -> memref<128x768xf32, #tpu.memory_space<hbm>>
      tpu.enqueue_dma source(%dma_start3A_51 : memref<128x768xf32, #tpu.memory_space<hbm>>) target(%arg4 : memref<128x768xf32, #tpu.memory_space<vmem>>) target_semaphore(%arg5 : memref<!tpu.dma_semaphore, #tpu.memory_space<semaphore_mem>>)
      %dma_wait3A = arith.constant 0 : i32
      %dma_wait3A_52 = tpu.memref_slice %arg2[%add3A_48, %dma_wait3A] : memref<65536x768xf32, #tpu.memory_space<hbm>> -> memref<128x768xf32, #tpu.memory_space<hbm>>
      %dma_wait3A_53 = arith.constant 0 : i32
      %dma_wait3A_54 = tpu.memref_slice %arg2[%add3A_48, %dma_wait3A_53] : memref<65536x768xf32, #tpu.memory_space<hbm>> -> memref<128x768xf32, #tpu.memory_space<hbm>>
      tpu.wait_dma2 semaphore(%arg5 : memref<!tpu.dma_semaphore, #tpu.memory_space<semaphore_mem>>) src(%dma_wait3A_54 : memref<128x768xf32, #tpu.memory_space<hbm>>) dst(%arg4 : memref<128x768xf32, #tpu.memory_space<vmem>>)
      %scan3A_55 = arith.constant 0 : i32
      scf.yield %scan3A_55 : i32
    }
    %scan3A_43 = arith.constant 4 : i32
    %run_scoped3A = arith.constant 0 : i32
    "tpu.region"() ({
      %run_scoped3A_44 = tpu.sem_alloc : memref<!tpu.dma_semaphore, #tpu.memory_space<semaphore_mem>>
      %dma_start3A = arith.constant 0 : i32
      %dma_start3A_45 = tpu.memref_slice %arg4[%run_scoped3A, %dma_start3A] : memref<128x768xf32, #tpu.memory_space<vmem>> -> memref<1x16xf32, #tpu.memory_space<vmem>>
      %dma_start3A_46 = tpu.memref_squeeze %dma_start3A_45 : memref<1x16xf32, #tpu.memory_space<vmem>> -> memref<16xf32, #tpu.memory_space<vmem>>
      %dma_start3A_47 = arith.constant 0 : i32
      %dma_start3A_48 = tpu.memref_slice %arg3[%add3A, %dma_start3A_47] : memref<32x16xf32, #tpu.memory_space<hbm>> -> memref<1x16xf32, #tpu.memory_space<hbm>>
      %dma_start3A_49 = tpu.memref_squeeze %dma_start3A_48 : memref<1x16xf32, #tpu.memory_space<hbm>> -> memref<16xf32, #tpu.memory_space<hbm>>
      %dma_start3A_50 = arith.constant 0 : i32
      %dma_start3A_51 = tpu.memref_slice %arg3[%add3A, %dma_start3A_50] : memref<32x16xf32, #tpu.memory_space<hbm>> -> memref<1x16xf32, #tpu.memory_space<hbm>>
      %dma_start3A_52 = tpu.memref_squeeze %dma_start3A_51 : memref<1x16xf32, #tpu.memory_space<hbm>> -> memref<16xf32, #tpu.memory_space<hbm>>
      %dma_start3A_53 = arith.constant 0 : i32
      %dma_start3A_54 = tpu.memref_slice %arg4[%run_scoped3A, %dma_start3A_53] : memref<128x768xf32, #tpu.memory_space<vmem>> -> memref<1x16xf32, #tpu.memory_space<vmem>>
      %dma_start3A_55 = tpu.memref_squeeze %dma_start3A_54 : memref<1x16xf32, #tpu.memory_space<vmem>> -> memref<16xf32, #tpu.memory_space<vmem>>
      tpu.enqueue_dma source(%dma_start3A_55 : memref<16xf32, #tpu.memory_space<vmem>>) target(%dma_start3A_52 : memref<16xf32, #tpu.memory_space<hbm>>) target_semaphore(%run_scoped3A_44 : memref<!tpu.dma_semaphore, #tpu.memory_space<semaphore_mem>>)
      %dma_wait3A = arith.constant 0 : i32
      %dma_wait3A_56 = tpu.memref_slice %arg4[%run_scoped3A, %dma_wait3A] : memref<128x768xf32, #tpu.memory_space<vmem>> -> memref<1x16xf32, #tpu.memory_space<vmem>>
      %dma_wait3A_57 = tpu.memref_squeeze %dma_wait3A_56 : memref<1x16xf32, #tpu.memory_space<vmem>> -> memref<16xf32, #tpu.memory_space<vmem>>
      %dma_wait3A_58 = arith.constant 0 : i32
      %dma_wait3A_59 = tpu.memref_slice %arg3[%add3A, %dma_wait3A_58] : memref<32x16xf32, #tpu.memory_space<hbm>> -> memref<1x16xf32, #tpu.memory_space<hbm>>
      %dma_wait3A_60 = tpu.memref_squeeze %dma_wait3A_59 : memref<1x16xf32, #tpu.memory_space<hbm>> -> memref<16xf32, #tpu.memory_space<hbm>>
      %dma_wait3A_61 = arith.constant 0 : i32
      %dma_wait3A_62 = tpu.memref_slice %arg3[%add3A, %dma_wait3A_61] : memref<32x16xf32, #tpu.memory_space<hbm>> -> memref<1x16xf32, #tpu.memory_space<hbm>>
      %dma_wait3A_63 = tpu.memref_squeeze %dma_wait3A_62 : memref<1x16xf32, #tpu.memory_space<hbm>> -> memref<16xf32, #tpu.memory_space<hbm>>
      %dma_wait3A_64 = arith.constant 0 : i32
      %dma_wait3A_65 = tpu.memref_slice %arg4[%run_scoped3A, %dma_wait3A_64] : memref<128x768xf32, #tpu.memory_space<vmem>> -> memref<1x16xf32, #tpu.memory_space<vmem>>
      %dma_wait3A_66 = tpu.memref_squeeze %dma_wait3A_65 : memref<1x16xf32, #tpu.memory_space<vmem>> -> memref<16xf32, #tpu.memory_space<vmem>>
      tpu.wait_dma2 semaphore(%run_scoped3A_44 : memref<!tpu.dma_semaphore, #tpu.memory_space<semaphore_mem>>) src(%dma_wait3A_66 : memref<16xf32, #tpu.memory_space<vmem>>) dst(%dma_wait3A_63 : memref<16xf32, #tpu.memory_space<hbm>>)
      tpu.yield
    }) : () -> ()
    return
  }
}

module attributes {stable_mosaic.version = 14 : i64} {
  func.func @_tc_body(%arg0: i32, %arg1: memref<1x768x768xf32, #tpu.memory_space<vmem>>, %arg2: memref<1x768x768xf32, #tpu.memory_space<vmem>>, %arg3: memref<1x768x768xf32, #tpu.memory_space<vmem>>, %arg4: memref<1x768x768xf32, #tpu.memory_space<vmem>>, %arg5: memref<1x1x768xf32, #tpu.memory_space<vmem>>) attributes {dimension_semantics = [#tpu.dimension_semantics<arbitrary>], iteration_bounds = array<i64: 16>, scalar_prefetch = 0 : i64, scratch_operands = 0 : i64, tpu.core_type = #tpu.core_type<tc>, window_params = [{transform_indices = @transform_0, window_bounds = array<i64: 1, 768, 768>}, {transform_indices = @transform_1, window_bounds = array<i64: 1, 768, 768>}, {transform_indices = @transform_2, window_bounds = array<i64: 1, 768, 768>}, {transform_indices = @transform_3, window_bounds = array<i64: 1, 768, 768>}, {transform_indices = @transform_4, window_bounds = array<i64: 1, 1, 768>}]} {
    %get3A = arith.constant 0 : index
    %get3A_0 = arith.constant 0 : index
    %get3A_1 = arith.constant 0 : index
    %get3A_2 = vector.load %arg1[%get3A, %get3A_0, %get3A_1] : memref<1x768x768xf32, #tpu.memory_space<vmem>>, vector<1x1x768xf32>
    %get3A_3 = vector.shape_cast %get3A_2 : vector<1x1x768xf32> to vector<768xf32>
    %get3A_4 = arith.constant 0 : index
    %get3A_5 = arith.constant 0 : index
    %get3A_6 = arith.constant 0 : index
    %get3A_7 = vector.load %arg2[%get3A_4, %get3A_5, %get3A_6] : memref<1x768x768xf32, #tpu.memory_space<vmem>>, vector<1x1x768xf32>
    %get3A_8 = vector.shape_cast %get3A_7 : vector<1x1x768xf32> to vector<768xf32>
    %add3A = arith.addf %get3A_3, %get3A_8 : vector<768xf32>
    %get3A_9 = arith.constant 0 : index
    %get3A_10 = arith.constant 0 : index
    %get3A_11 = arith.constant 0 : index
    %get3A_12 = vector.load %arg3[%get3A_9, %get3A_10, %get3A_11] : memref<1x768x768xf32, #tpu.memory_space<vmem>>, vector<1x1x768xf32>
    %get3A_13 = vector.shape_cast %get3A_12 : vector<1x1x768xf32> to vector<768xf32>
    %add3A_14 = arith.addf %add3A, %get3A_13 : vector<768xf32>
    %get3A_15 = arith.constant 0 : index
    %get3A_16 = arith.constant 0 : index
    %get3A_17 = arith.constant 0 : index
    %get3A_18 = vector.load %arg4[%get3A_15, %get3A_16, %get3A_17] : memref<1x768x768xf32, #tpu.memory_space<vmem>>, vector<1x1x768xf32>
    %get3A_19 = vector.shape_cast %get3A_18 : vector<1x1x768xf32> to vector<768xf32>
    %add3A_20 = arith.addf %add3A_14, %get3A_19 : vector<768xf32>
    %swap3A = arith.constant 0 : index
    %swap3A_21 = arith.constant 0 : index
    %swap3A_22 = arith.constant 0 : index
    %swap3A_23 = vector.load %arg5[%swap3A, %swap3A_21, %swap3A_22] : memref<1x1x768xf32, #tpu.memory_space<vmem>>, vector<1x1x768xf32>
    %swap3A_24 = vector.shape_cast %swap3A_23 : vector<1x1x768xf32> to vector<768xf32>
    %swap3A_25 = vector.shape_cast %add3A_20 : vector<768xf32> to vector<1x1x768xf32>
    tpu.vector_store %arg5[%swap3A, %swap3A_21, %swap3A_22], %swap3A_25 {strides = array<i32>} : memref<1x1x768xf32, #tpu.memory_space<vmem>>, vector<1x1x768xf32>,
    return
  }
  func.func @transform_0(%arg0: i32) -> (i32, i32, i32) {
    %c0_i32 = arith.constant 0 : i32
    %c0_i32_0 = arith.constant 0 : i32
    %c0_i32_1 = arith.constant 0 : i32
    return %arg0, %c0_i32, %c0_i32_0 : i32, i32, i32
  }
  func.func @transform_1(%arg0: i32) -> (i32, i32, i32) {
    %c1_i32 = arith.constant 1 : i32
    %c0_i32 = arith.constant 0 : i32
    %c0_i32_0 = arith.constant 0 : i32
    return %arg0, %c1_i32, %c0_i32 : i32, i32, i32
  }
  func.func @transform_2(%arg0: i32) -> (i32, i32, i32) {
    %c2_i32 = arith.constant 2 : i32
    %c0_i32 = arith.constant 0 : i32
    %c0_i32_0 = arith.constant 0 : i32
    return %arg0, %c2_i32, %c0_i32 : i32, i32, i32
  }
  func.func @transform_3(%arg0: i32) -> (i32, i32, i32) {
    %c3_i32 = arith.constant 3 : i32
    %c0_i32 = arith.constant 0 : i32
    %c0_i32_0 = arith.constant 0 : i32
    return %arg0, %c3_i32, %c0_i32 : i32, i32, i32
  }
  func.func @transform_4(%arg0: i32) -> (i32, i32, i32) {
    %c0_i32 = arith.constant 0 : i32
    %c0_i32_0 = arith.constant 0 : i32
    %c0_i32_1 = arith.constant 0 : i32
    return %arg0, %c0_i32, %c0_i32_0 : i32, i32, i32
  }
}

</mosaic_0001>

<sc_bundles>
// kernel: kernel.4.cloned.1.call-start
scs
__scs_entry_jumppad:
0x0: {  	(pc) =	sbr.rel $0x88, $3  }
0x1: {  	(tag) =	ssettag $0x0;
	lr =	simm.s32 $0x1  }
0x2: {  	[smem:$0x3FA0] =	sst lr;
	_ =	strace $0xD0000000  }
0x3: {  	_ = 	snop  }
0x4: {  	_ = 	snop  }
0x5: {  	_ = 	snop  }
0x6: {  	_ = 	snop  }
0x7: {  	_ = 	snop  }
__scs_overlays_trampoline_lowered:
0x8: {  	[smem:$0x3FAF] =	sst s0  }
0x9: {  	[smem:$0x3FB0] =	sst s1  }
0xa: {  	[smem:$0x3FB1] =	sst s2  }
0xb: {  	[smem:$0x3FB2] =	sst s3  }
0xc: {  	[smem:$0x3FB3] =	sst s4  }
0xd: {  	[smem:$0x3FB4] =	sst s5  }
0xe: {  	[smem:$0x3FB5] =	sst s6  }
0xf: {  	[smem:$0x3FB6] =	sst s7  }
0x10: {  	[smem:$0x3FB7] =	sst s8  }
0x11: {  	[smem:$0x3FB8] =	sst s9;
	s0 =	simm.s32 @!p0 $0x0  }
0x12: {  	s1 =	sld [smem:$0x3F9E];
	s0 =	simm.s32 @p0 $0x1  }
0x13: {  	[smem:$0x3FB9] =	sst s0;
	s0 =	simm.s32 @!p1 $0x0  }
0x14: {  	s2 =	sld [smem:$0x3F9D];
	s0 =	simm.s32 @p1 $0x1  }
0x15: {  	[smem:$0x3FBA] =	sst s0;
	s0 =	simm.s32 @!p2 $0x0  }
0x16: {  	s3 =	sld [smem:$0x3FDB];
	s0 =	simm.s32 @p2 $0x1  }
0x17: {  	s4 =	simm.s32 $0x1BF5;
	[smem:$0x3FBC] =	sst s0  }
0x18: {  	s0 =	sld [smem:$0x3F9F];
	_ =	swait.ge [sflag:s4], $0x0  }
0x19: {  	s7 =	sld [smem:$0x3FA0]  }
0x1a: {  	s8 =	sadd.s32 $0xFFFFE003, lr  }
0x1b: {  	s9 =	sadd.s32 $0xFFFFFEF7, lr;
	s5 =	simm.s32 $0xFFFFFFFF;
	p2 =	slt.u32 s8, $0xFFFFF086  }
0x1c: {  	p1 =	slt.u32 s9, $0xF7A;
	s5 =	simm.s32 @!p2 $0x0  }
0x1d: {  	s5 =	simm.s32 @p1 $0x1;
	p0 =	seq.s32 s7, s2  }
0x1e: {  	s7 =	smul.u32 @!p0 $0xF7A, s2;
	p2 =	seq.s32 @!p0 s5, $0x0  }
0x1f: {  	s9 =	smul.u32 $0xF7A, s1;
	s8 =	simm.s32 @!p0 $0x1BF5;
	p2 =	por !p2, p0  }
0x20: {  	[sflag:s8] =	ssyncset.s32 @!p0 $0xFFFFF086;
	s6 =	sadd.s32 @!p0 s3, s7;
	s7 =	simm.s32 @!p0 $0x108  }
0x21: {  	s3 =	sadd.s32 s3, s9;
	s6 =	sadd.s32 @!p0 $0x88, s6;
	s7 =	simm.s32 @p2 $0x1082  }
0x22: {  	[simem:s7], [sflag:s8] =	dma.local @!p0 [hbm:s6], $0xF7A  }
0x23: {  	s9 =	sor.u32 $0xD0000000, s2;
	s6 =	simm.s32 $0x108;
	_ =	swait.ge @!p0 [sflag:s8], $0x0  }
0x24: {  	s3 =	sadd.s32 $0x88, s3;
	s6 =	simm.s32 @!p1 $0x1082;
	[sflag:s4] =	ssyncset.s32 $0xFFFFF086  }
0x25: {  	[simem:s6], [sflag:s4] =	dma.local [hbm:s3], $0xF7A  }
0x26: {  	[smem:$0x3FA0] =	sst s1;
	(tag) =	ssettag s2;
	_ =	strace s9  }
0x27: {  	s1 =	sld [smem:$0x3FB0]  }
0x28: {  	s2 =	sld [smem:$0x3FB1]  }
0x29: {  	s4 =	sld [smem:$0x3FB3]  }
0x2a: {  	p0 =	seq.s32 s5, $0x0;
	s5 =	sld [smem:$0x3FB4]  }
0x2b: {  	s6 =	sld [smem:$0x3FB5]  }
0x2c: {  	s7 =	sld [smem:$0x3FB6]  }
0x2d: {  	s3 =	simm.s32 $0x108;
	s8 =	sld [smem:$0x3FB7]  }
0x2e: {  	s3 =	simm.s32 @!p0 $0x1082;
	s9 =	sld [smem:$0x3FB8]  }
0x2f: {  	lr =	sadd.s32 s0, s3;
	s0 =	sld [smem:$0x3FAF]  }
0x30: {  	s3 =	sld [smem:$0x3FB2]  }
0x31: {  	[smem:$0x3FBB] =	sst s10  }
0x32: {  	s10 =	sld [smem:$0x3FB9];
	_ =	sdelay $0x3  }
0x33: {  	p0 =	seq.s32 s10, $0x1;
	s10 =	sld [smem:$0x3FBB];
	_ =	sdelay $0x3  }
0x34: {  	[smem:$0x3FBB] =	sst s10  }
0x35: {  	s10 =	sld [smem:$0x3FBA];
	_ =	sdelay $0x3  }
0x36: {  	p1 =	seq.s32 s10, $0x1;
	s10 =	sld [smem:$0x3FBB];
	_ =	sdelay $0x3  }
0x37: {  	[smem:$0x3FBB] =	sst s10  }
0x38: {  	s10 =	sld [smem:$0x3FBC]  }
0x39: {  	_ = 	snop;
	(pc) =	sbr.ind lr, $3  }
0x3a: {  	_ = 	snop  }
0x3b: {  	_ = 	snop  }
0x3c: {  	p2 =	seq.s32 s10, $0x1;
	s10 =	sld [smem:$0x3FBB]  }
0x3d: {  	_ =	shalt  }
0x3e: {  	_ =	shalt  }
0x3f: {  	_ =	shalt  }
0x40: {  	_ =	shalt  }
0x41: {  	_ =	shalt  }
0x42: {  	_ =	shalt  }
0x43: {  	_ =	shalt  }
0x44: {  	_ =	shalt  }
0x45: {  	_ =	shalt  }
0x46: {  	_ =	shalt  }
0x47: {  	_ =	shalt  }
0x48: {  	_ =	shalt  }
0x49: {  	_ =	shalt  }
0x4a: {  	_ =	shalt  }
0x4b: {  	_ =	shalt  }
0x4c: {  	_ =	shalt  }
0x4d: {  	_ =	shalt  }
0x4e: {  	_ =	shalt  }
0x4f: {  	_ =	shalt  }
0x50: {  	_ =	shalt  }
0x51: {  	_ =	shalt  }
0x52: {  	_ =	shalt  }
0x53: {  	_ =	shalt  }
0x54: {  	_ =	shalt  }
0x55: {  	_ =	shalt  }
0x56: {  	_ =	shalt  }
0x57: {  	_ =	shalt  }
0x58: {  	_ =	shalt  }
0x59: {  	_ =	shalt  }
0x5a: {  	_ =	shalt  }
0x5b: {  	_ =	shalt  }
0x5c: {  	_ =	shalt  }
0x5d: {  	_ =	shalt  }
0x5e: {  	_ =	shalt  }
0x5f: {  	_ =	shalt  }
0x60: {  	_ =	shalt  }
0x61: {  	_ =	shalt  }
0x62: {  	_ =	shalt  }
0x63: {  	_ =	shalt  }
0x64: {  	_ =	shalt  }
0x65: {  	_ =	shalt  }
0x66: {  	_ =	shalt  }
0x67: {  	_ =	shalt  }
0x68: {  	_ =	shalt  }
0x69: {  	_ =	shalt  }
0x6a: {  	_ =	shalt  }
0x6b: {  	_ =	shalt  }
0x6c: {  	_ =	shalt  }
0x6d: {  	_ =	shalt  }
0x6e: {  	_ =	shalt  }
0x6f: {  	_ =	shalt  }
0x70: {  	_ =	shalt  }
0x71: {  	_ =	shalt  }
0x72: {  	_ =	shalt  }
0x73: {  	_ =	shalt  }
0x74: {  	_ =	shalt  }
0x75: {  	_ =	shalt  }
0x76: {  	_ =	shalt  }
0x77: {  	_ =	shalt  }
0x78: {  	_ =	shalt  }
0x79: {  	_ =	shalt  }
0x7a: {  	_ =	shalt  }
0x7b: {  	_ =	shalt  }
0x7c: {  	_ =	shalt  }
0x7d: {  	_ =	shalt  }
0x7e: {  	_ =	shalt  }
0x7f: {  	_ =	shalt  }
0x80: {  	_ =	shalt  }
0x81: {  	_ =	shalt  }
0x82: {  	_ =	shalt  }
0x83: {  	_ =	shalt  }
0x84: {  	_ =	shalt  }
0x85: {  	_ =	shalt  }
0x86: {  	_ =	shalt  }
0x87: {  	_ =	shalt  }
.Lfunc_end0:
.L_simem_size_0:
called_computation_lowered:
.L_overlay_start_0:
0x88: {  	s2 =	sld [smem:$0x3FD9]  }
0x89: {  	s3 =	sld [smem:$0x3FFE];
	_ =	sdelay $0x1  }
0x8a: {  	s1 =	srdreg.scid  }
0x8b: {  	s0 =	sand.u32 $0x1, s1  }
0x8c: {  	s18 =	sshll.u32 s0, $0xA;
	s2 =	sadd.s32 s3, s2  }
0x8d: {  	s2 =	sadd.s32 s2, s18  }
0x8e: {  	[smem:$0x3FC7] =	sst s2  }
0x8f: {  	_ = 	snop  }
0x90: {  	s2 =	sld [smem:$0x3FC9]  }
0x91: {  	s19 =	sld [smem:$0x3FD0];
	(tm) =	ssettm $0x1  }
0x92: {  	s4 =	sld [smem:$0x3FFB];
	_ =	sdelay $0x3  }
0x93: {  	_ =	strace s4  }
0x94: {  	s4 =	sld [smem:$0x3FFC];
	_ =	sdelay $0x3  }
0x95: {  	_ =	strace s4  }
0x96: {  	s4 =	sld [smem:$0x3FFD];
	_ =	sdelay $0x3  }
0x97: {  	_ =	strace s4  }
0x98: {  	_ =	strace $0x8FFFFFFF  }
0x99: {  	s20 =	sld [smem:$0x3FDB];
	_ =	sdelay $0x1  }
0x9a: {  	s5 =	simm.s32 $_scs_section_size  }
0x9b: {  	s6 =	simm.s32 $_size__tile_overlayer_lowered;
	s7 =	simm.s32 $_tile_overlayer_lowered  }
0x9c: {  	s23 =	simm.s32 $0x1BFF;
	s22 =	sshll.u32 s7, $0x1;
	s4 =	sadd.s32 s5, s20  }
0x9d: {  	s8 =	simm.s32 $0x0;
	s21 =	sshll.u32 s6, $0x1;
	s6 =	sadd.s32 s22, s4  }
0x9e: {  	[timem:s8], [sflag:s23] =	dma.local [hbm:s6], s21  }
0x9f: {  	_ =	swait.ge [sflag:s23], s21  }
0xa0: {  	s5 =	ssub.s32 $0x0, s21;
	[sflag:s23] =	ssyncset.done $0x0  }
0xa1: {  	[sflag:s23] =	ssyncadd.s32 s5;
	_ =	sdelay $0x1  }
0xa2: {  	s24 =	simm.s32 $0x1B8B  }
0xa3: {  	_ =	swait.ge [sflag:s24], $0x1  }
0xa4: {  	[sflag:s24] =	ssyncset.done $0x0  }
0xa5: {  	s25 =	simm.s32 $0x1B8E;
	[sflag:s24] =	ssyncadd.s32 $0xFFFFFFFF  }
0xa6: {  	s26 =	simm.s32 $execute0_lowered;
	[smem:$0x3FD2] =	sst s25  }
0xa7: {  	s5 =	sshll.u32 s26, $0x1;
	_ =	strace $0x80000046;
	[dreg:$0x1] =	wrdreg $0xFFFFFFFF  }
0xa8: {  	s28 =	simm.s32 $_size_execute0_lowered;
	s4 =	sadd.s32 s4, s5;
	[dreg:$0x0] =	wrdreg $0x0  }
0xa9: {  	s5 =	sshll.u32 s28, $0x1;
	[dreg:$0x2] =	wrdreg s4  }
0xaa: {  	[dreg:$0x3] =	wrdreg s5  }
0xab: {  	[dreg:$0x4] =	wrdreg $0xC0  }
0xac: {  	_ =	task [dreg:s8], $0x5FFFF  }
0xad: {  	[dreg:$0x1] =	wrdreg $0xFFFFFFFF  }
0xae: {  	[dreg:$0x0] =	wrdreg $0x60  }
0xaf: {  	[dreg:$0x2] =	wrdreg s2  }
0xb0: {  	[dreg:$0x3] =	wrdreg s19  }
0xb1: {  	[dreg:$0x4] =	wrdreg $0x9  }
0xb2: {  	_ =	task.clear_ibuf [dreg:s8], $0x5FFFF;
	_ =	strace $0x90000046  }
0xb3: {  	s29 =	simm.s32 $0x9;
	_ =	strace $0x80000048  }
0xb4: {  	_ =	swait.ge [sflag:s29], $0x1  }
0xb5: {  	[sflag:s29] =	ssyncadd.s32 $0xFFFFFFFF  }
0xb6: {  	_ =	strace $0x90000048  }
0xb7: {  	_ =	sfence  }
0xb8: {  	s30 =	sld [smem:$0x0];
	_ =	sdelay $0x2  }
0xb9: {  	s31 =	sshll.u32 s1, $0xD;
	s1 =	sshrl.u32 s1, $0x2  }
0xba: {  	s3 =	sand.u32 $0x4000, s31;
	s1 =	sadd.s32 s1, s30  }
0xbb: {  	s0 =	sor.u32 s3, s0;
	s1 =	sshll.u32 s1, $0x11  }
0xbc: {  	s0 =	sor.u32 s1, s0  }
0xbd: {  	s0 =	sadd.s32 $0x8F2B, s0  }
0xbe: {  	[sflag:s0] =	ssyncadd.remote.s32 $0x1  }
0xbf: {  	_ =	sfence.sel $0xFFFF  }
0xc0: {  	[dreg:$0x0] =	wrdreg $0xFFFFFFFF;
	(pc) =	sbr.abs _section_cstart, $3  }
0xc1: {  	[dreg:$0x1] =	wrdreg $0xFFFFFFFF  }
0xc2: {  	_ =	task.clear_ibuf [dreg:s8], $0x2FFFF;
	_ =	strace $0x9FFFFFFF  }
0xc3: {  	(tm) =	ssettm $0x7FFFFFFF  }
tec
execute0_lowered:
.L_overlay_start_1:
0x0: {  	(tag) =	ssettag $0x1  }
0x1: {  	s1 =	srdreg.scid;
	s0 =	stileid.u32  }
0x2: {  	s7 =	sand.u32 $0x1, s1;
	s30 =	sshll.u32 s0, $0x1  }
0x3: {  	s8 =	sor.u32 s7, s30  }
0x4: {  	p1 =	seq.s32 s7, $0x1;
	p0 =	seq.s32 s8, $0x0  }
0x5: {  	p0 =	por !p0, !p1  }
0x6: {  	s1 =	simm.s32 $0x1;
	p0 =	por !p0, !p0  }
0x7: {  	s1 =	simm.s32 @!p0 $0x0  }
0x8: {  	s1 =	ssub.s32 s0, s1  }
0x9: {  	s2 =	sshll.u32 s7, $0x9;
	s1 =	sshll.u32 s1, $0xC  }
0xa: {  	s1 =	sor.u32 s2, s1  }
0xb: {  	s3 =	rddreg [dreg:$0x0];
	s1 =	sshrl.u32 s1, $0x3  }
0xc: {  	s9 =	rddreg [dreg:$0x1];
	s2 =	simm.s32 $0x0;
	s4 =	smul.u32 $0x300, s1  }
0xd: {  	[smem:$0x7FF] =	sst s2  }
0xe: {  	s1 =	rddreg [dreg:$0x2];
	s10 =	sadd.s32 s4, s3  }
0xf: {  	_ =	strace $0x80000047;
	s3 =	simm.s32 $0x1;
	s4 =	sadd.s32 $0x48000, s10  }
0x10: {  	[tilespmem:s2], [sflag:$0x1] =	stream.linear.gather [hbm4b:s4+s2], $0x18000, $0x38;
	[tilespmem:$0x18000] =	vst v63  }
0x11: {  	_ =	swait.ge [sflag:s3], $0x18000  }
0x12: {  	[sflag:s3] =	ssyncset.done $0x0  }
0x13: {  	s5 =	sadd.s32 $0x4B000, s10;
	[sflag:s3] =	ssyncadd.s32 $0xFFFE8000  }
0x14: {  	[tilespmem:s2], [sflag:$0x1] =	stream.linear.gather [hbm4b:s5+s2], $0x18000, $0x38;
	[tilespmem:$0x18000] =	vst v63  }
0x15: {  	_ =	swait.ge [sflag:s3], $0x18000  }
0x16: {  	[sflag:s3] =	ssyncset.done $0x0  }
0x17: {  	s6 =	sadd.s32 $0x4E000, s10;
	[sflag:s3] =	ssyncadd.s32 $0xFFFE8000  }
0x18: {  	[tilespmem:s2], [sflag:$0x1] =	stream.linear.gather [hbm4b:s6+s2], $0x18000, $0x38;
	[tilespmem:$0x18000] =	vst v63  }
0x19: {  	s11 =	ssub.s32 $0x2, s7;
	_ =	swait.ge [sflag:s3], $0x18000  }
0x1a: {  	s31 =	sshrl.u32 s11, $0x1;
	[sflag:s3] =	ssyncset.done $0x0  }
0x1b: {  	s8 =	sshll.u32 s8, $0x4;
	s7 =	sadd.s32 $0x51000, s10;
	[sflag:s3] =	ssyncadd.s32 $0xFFFE8000  }
0x1c: {  	[tilespmem:s2], [sflag:$0x1] =	stream.linear.gather [hbm4b:s7+s2], $0x18000, $0x38;
	[tilespmem:$0x18000] =	vst v63  }
0x1d: {  	s11 =	ssub.s32 s11, s31;
	s8 =	sadd.s32 s9, s8;
	_ =	swait.ge [sflag:s3], $0x18000  }
0x1e: {  	s9 =	simm.s32 $0x80;
	s12 =	smax.u32 s11, $0x1;
	[sflag:s3] =	ssyncset.done $0x0  }
0x1f: {  	p0 =	sne.s32 s12, $0x1;
	s10 =	simm.s32 $0x400;
	[sflag:s3] =	ssyncadd.s32 $0xFFFE8000  }
0x20: {  	[hbm4b:s8+s9] =	stream.strided.scatter [tilespmem:s2], [sflag:$0x2], $0x0, s10, s9, $0x38;
	[tilespmem:$0x18000] =	vst v63  }
.Ltmp0:
0x21: {  	_ = 	snop;
	(pc) =	sbr.rel @!p0 .LBB2_2-.Ltmp0, $4  }
0x22: {  	s11 =	simm.s32 $0x2  }
0x23: {  	[hbm4b:s8+s2] =	stream.linear.scatter [tilespmem:s2], [sflag:$0x2], $0x10, $0x38;
	[tilespmem:$0x18000] =	vst v63  }
0x24: {  	_ =	swait.ge [sflag:s11], $0x10  }
0x25: {  	s12 =	sadd.s32 $0xFFFFFFFF, s12;
	[sflag:s11] =	ssyncset.done $0x0  }
.LBB2_1:
0x26: {  	p0 =	sne.s32 s12, $0x1;
	s12 =	sadd.s32 $0xFFFFFFFF, s12;
	[sflag:s11] =	ssyncadd.s32 $0xFFFFFFF0  }
0x27: {  	_ = 	snop  }
0x28: {  	[tilespmem:s2], [sflag:$0x1] =	stream.linear.gather [hbm4b:s4+s2], $0x18000, $0x38;
	[tilespmem:$0x18000] =	vst v63  }
0x29: {  	_ =	swait.ge [sflag:s3], $0x18000  }
0x2a: {  	[sflag:s3] =	ssyncset.done $0x0  }
0x2b: {  	[sflag:s3] =	ssyncadd.s32 $0xFFFE8000  }
0x2c: {  	[tilespmem:s2], [sflag:$0x1] =	stream.linear.gather [hbm4b:s5+s2], $0x18000, $0x38;
	[tilespmem:$0x18000] =	vst v63  }
0x2d: {  	_ =	swait.ge [sflag:s3], $0x18000  }
0x2e: {  	[sflag:s3] =	ssyncset.done $0x0  }
0x2f: {  	[sflag:s3] =	ssyncadd.s32 $0xFFFE8000  }
0x30: {  	[tilespmem:s2], [sflag:$0x1] =	stream.linear.gather [hbm4b:s6+s2], $0x18000, $0x38;
	[tilespmem:$0x18000] =	vst v63  }
0x31: {  	_ =	swait.ge [sflag:s3], $0x18000  }
0x32: {  	[sflag:s3] =	ssyncset.done $0x0  }
0x33: {  	[sflag:s3] =	ssyncadd.s32 $0xFFFE8000  }
0x34: {  	[tilespmem:s2], [sflag:$0x1] =	stream.linear.gather [hbm4b:s7+s2], $0x18000, $0x38;
	[tilespmem:$0x18000] =	vst v63  }
0x35: {  	_ =	swait.ge [sflag:s3], $0x18000  }
0x36: {  	[sflag:s3] =	ssyncset.done $0x0  }
0x37: {  	[sflag:s3] =	ssyncadd.s32 $0xFFFE8000  }
0x38: {  	[hbm4b:s8+s9] =	stream.strided.scatter [tilespmem:s2], [sflag:$0x2], $0x0, s10, s9, $0x38;
	[tilespmem:$0x18000] =	vst v63  }
.Ltmp1:
0x39: {  	_ = 	snop;
	(pc) =	sbr.rel @p0 .LBB2_1-.Ltmp1, $4  }
0x3a: {  	_ = 	snop  }
0x3b: {  	[hbm4b:s8+s2] =	stream.linear.scatter [tilespmem:s2], [sflag:$0x2], $0x10, $0x38;
	[tilespmem:$0x18000] =	vst v63  }
0x3c: {  	_ =	swait.ge [sflag:s11], $0x10  }
0x3d: {  	[sflag:s11] =	ssyncset.done $0x0  }
.LBB2_2:
0x3e: {  	[sflag:s11] =	ssyncadd.s32 $0xFFFFFFF0  }
0x3f: {  	_ =	sfence.sel $0x180000  }
0x40: {  	[bflag:$0x0] =	sbarrier.arrive $0xFFFF  }
0x41: {  	p0 =	sne.s32 s0, $0x0;
	_ =	strace $0x90000047  }
0x42: {  	s0 =	sadd.s32 @!p0 $0x100000, s1;
	[bflag:$0x2] =	sbarrier.arrive $0xFFFF  }
0x43: {  	[sflag:s0] =	ssyncadd.tile.s32 @!p0 $0x1;
	_ =	shalt  }
.Lfunc_end2:
_tile_overlayer_lowered:
.L_overlay_start_2:
0x44: {  	(tag) =	ssettag $0x2  }
0x45: {  	s0 =	rddreg [dreg:$0x0];
	s2 =	stileid.u32  }
0x46: {  	s1 =	rddreg [dreg:$0x1];
	p0 =	sne.s32 s2, $0x0  }
0x47: {  	s3 =	rddreg [dreg:$0x2];
	[bflag:$0x3] =	sbarrier.arrive $0xFFFF;
	s2 =	simm.s32 @!p0 $0x1C02  }
0x48: {  	[timem:s3], [sflag:s2] =	dma.local @!p0 [hbm:s0], s1  }
0x49: {  	s0 =	simm.s32 @!p0 $0x2  }
0x4a: {  	_ =	swait.ge @!p0 [sflag:s0], s1  }
0x4b: {  	s1 =	ssub.s32 @!p0 $0x0, s1;
	[sflag:s0] =	ssyncset.done @!p0 $0x0  }
0x4c: {  	[sflag:s0] =	ssyncadd.s32 @!p0 s1  }
0x4d: {  	[bflag:$0x3] =	sbarrier.arrive $0xFFFF  }
0x4e: {  	_ =	shalt  }

</sc_bundles>
